<compile_context>
chip_gen: v7x
topology: tpu7x:2x2x1
jax: 0.10.2.dev20260603
libtpu: 0.0.44.dev20260713+nightly
codegen_flags: <defaults>
</compile_context>

<pallas_src>
import jax
import jax.numpy as jnp
from jax import lax
from jax.experimental import pallas as pl
from jax.experimental.pallas import tpu as pltpu

_BH = 32


def _make_body(d, h, w, c):
    nh = h // _BH
    steps = d * nh
    fr = w * c // 128

    def body(row_ref, dep_ref, colpat_ref, out_hbm, scratch, sems):
        s = pl.program_id(0)
        b = lax.rem(s, 2)
        di = lax.div(s, nh)
        hi = lax.rem(s, nh)
        out_flat = out_hbm

        def wait_for(ps):
            pb = lax.rem(ps, 2)
            pltpu.make_async_copy(
                scratch.at[pb], out_flat.at[ps], sems.at[pb]
            ).wait()

        @pl.when(s >= 2)
        def _():
            wait_for(s - 2)

        yblk = row_ref[pl.ds(hi * _BH, _BH), :]
        ytile = jnp.concatenate([yblk, yblk], axis=-1)
        zrow = dep_ref[pl.ds(di, 1), :]
        ztile = jnp.concatenate([zrow, zrow], axis=-1)

        r_i = lax.broadcasted_iota(jnp.int32, (fr, 128), 0)
        l_i = lax.broadcasted_iota(jnp.int32, (fr, 128), 1)
        m = 2 * r_i + l_i // 64
        t = lax.rem(m, 3)

        dense = jnp.broadcast_to(colpat_ref[...][None], (_BH, fr, 128))
        dense = jnp.where((t == 1)[None], ytile[:, None, :], dense)
        dense = jnp.where((t == 2)[None], ztile[:, None, :], dense)
        scratch[b] = dense

        pltpu.make_async_copy(
            scratch.at[b], out_flat.at[s], sems.at[b]
        ).start()

        @pl.when(s == steps - 1)
        def _():
            wait_for(s - 1)
            wait_for(s)

    return body


def kernel(scan, row_weight, col_weight, depth_weight):
    d, em, h, w = scan.shape
    c = row_weight.shape[1] + col_weight.shape[1] + depth_weight.shape[1]
    nh = h // _BH
    fr = w * c // 128
    cw = col_weight[:w]
    colpat = jnp.concatenate(
        [cw[:, None, :], jnp.zeros((w, 2, cw.shape[1]), cw.dtype)], axis=1
    ).reshape(fr, 128)
    flat = pl.pallas_call(
        _make_body(d, h, w, c),
        grid=(d * nh,),
        in_specs=[
            pl.BlockSpec(row_weight.shape, lambda s: (0, 0)),
            pl.BlockSpec(depth_weight.shape, lambda s: (0, 0)),
            pl.BlockSpec((fr, 128), lambda s: (0, 0)),
        ],
        out_specs=pl.BlockSpec(memory_space=pl.ANY),
        out_shape=jax.ShapeDtypeStruct((d * nh, _BH, fr, 128), jnp.float32),
        scratch_shapes=[
            pltpu.VMEM((2, _BH, fr, 128), jnp.float32),
            pltpu.SemaphoreType.DMA((2,)),
        ],
        compiler_params=pltpu.CompilerParams(
            dimension_semantics=("arbitrary",),
        ),
    )(row_weight, depth_weight, colpat)
    return jnp.reshape(flat, (d, h, w, c))

# --- scband reference (transcript-rebuilt; emitter-appended) ---
"""Pipeline reference for scband-learned-positional-embedding3-d-31808527794684 (READ-ONLY COPY).

The authoritative reference and input builder live on the scoring server;
editing this copy changes nothing except your own understanding.
"""

import jax, jax.numpy as jnp
import numpy as np


def setup_inputs(seed: int = 0) -> dict:
    key = jax.random.key(seed)
    k1, k2, k3, k4 = jax.random.split(key, 4)
    # scan: only its shape (d, em, h, w) is consumed by the module
    scan = jax.random.normal(k1, (8, 1, 224, 224), dtype=jnp.float32)
    # embedding_dim = 192, 192 % 3 == 0 -> each sub-embedding has 192 // 3 = 64 dims
    # row_embed: nn.Embedding(max_width=256, 64)
    # col_embed: nn.Embedding(max_height=256, 64)
    # depth_embed: nn.Embedding(max_depth=40, 64)
    row_weight = jax.random.uniform(k2, (256, 64), dtype=jnp.float32)
    col_weight = jax.random.uniform(k3, (256, 64), dtype=jnp.float32)
    depth_weight = jax.random.uniform(k4, (40, 64), dtype=jnp.float32)
    return {"scan": scan, "row_weight": row_weight, "col_weight": col_weight, "depth_weight": depth_weight}


def reference(scan, row_weight, col_weight, depth_weight):
    d, em, h, w = scan.shape
    i = jnp.arange(w)
    j = jnp.arange(h)
    k = jnp.arange(d)
    # embedding lookups (gathers)
    x_emb = jnp.take(col_weight, i, axis=0)    # [w, 64]
    y_emb = jnpp_take = jnp.take(row_weight, j, axis=0)    # [h, 64]
    z_emb = jnp.take(depth_weight, k, axis=0)  # [d, 64]
    # replicate to the full (d, h, w, *) grid, matching torch repeat semantics
    x_part = jnp.broadcast_to(x_emb[None, None, :, :], (d, h, w, x_emb.shape[-1]))
    y_part = jnp.broadcast_to(y_emb[None, :, None, :], (d, h, w, y_emb.shape[-1]))
    z_part = jnp.broadcast_to(z_emb[:, None, None, :], (d, h, w, z_emb.shape[-1]))
    pos = jnp.concatenate([x_part, y_part, z_part], axis=-1)  # [d, h, w, 192]
    return pos

if __name__ == "__main__":
    import jax
    _d = setup_inputs()
    print(jax.jit(kernel)(*tuple(_d.values())))

</pallas_src>

<mosaic_0001>
module attributes {stable_mosaic.version = 14 : i64} {
  func.func @body(%arg0: i32, %arg1: memref<256x64xf32, #tpu.memory_space<vmem>>, %arg2: memref<40x64xf32, #tpu.memory_space<vmem>>, %arg3: memref<336x128xf32, #tpu.memory_space<vmem>>, %arg4: memref<56x32x336x128xf32, #tpu.memory_space<any>>, %arg5: memref<2x32x336x128xf32, #tpu.memory_space<vmem>>, %arg6: memref<2x!tpu.dma_semaphore, #tpu.memory_space<semaphore_mem>>) attributes {dimension_semantics = [#tpu.dimension_semantics<arbitrary>], iteration_bounds = array<i64: 56>, scalar_prefetch = 0 : i64, scratch_operands = 2 : i64, tpu.core_type = #tpu.core_type<tc>, window_params = [{pipeline_mode = #tpu.pipeline_mode<synchronous>, transform_indices = @transform_0, window_bounds = array<i64: 256, 64>}, {pipeline_mode = #tpu.pipeline_mode<synchronous>, transform_indices = @transform_1, window_bounds = array<i64: 40, 64>}, {pipeline_mode = #tpu.pipeline_mode<synchronous>, transform_indices = @transform_2, window_bounds = array<i64: 336, 128>}, {}]} {
    %rem3A = arith.constant 2 : i32
    %rem3A_0 = arith.remsi %arg0, %rem3A : i32
    %div3A = arith.constant 7 : i32
    %div3A_1 = arith.divsi %arg0, %div3A : i32
    %rem3A_2 = arith.constant 7 : i32
    %rem3A_3 = arith.remsi %arg0, %rem3A_2 : i32
    %ge3A = arith.constant 2 : i32
    %ge3A_4 = arith.cmpi sge, %arg0, %ge3A : i32
    %convert_element_type3A = arith.extui %ge3A_4 : i1 to i32
    %cond3A = arith.constant 0 : i32
    %cond3A_5 = arith.cmpi ne, %convert_element_type3A, %cond3A : i32
    scf.if %cond3A_5 {
      %sub3A_91 = arith.constant 2 : i32
      %sub3A_92 = arith.subi %arg0, %sub3A_91 : i32
      %rem3A_93 = arith.constant 2 : i32
      %rem3A_94 = arith.remsi %sub3A_92, %rem3A_93 : i32
      %dma_wait3A = tpu.memref_slice %arg6[%rem3A_94] : memref<2x!tpu.dma_semaphore, #tpu.memory_space<semaphore_mem>> -> memref<1x!tpu.dma_semaphore, #tpu.memory_space<semaphore_mem>>
      %dma_wait3A_95 = tpu.memref_squeeze %dma_wait3A : memref<1x!tpu.dma_semaphore, #tpu.memory_space<semaphore_mem>> -> memref<!tpu.dma_semaphore, #tpu.memory_space<semaphore_mem>>
      %dma_wait3A_96 = arith.constant 0 : i32
      %dma_wait3A_97 = arith.constant 0 : i32
      %dma_wait3A_98 = arith.constant 0 : i32
      %dma_wait3A_99 = tpu.memref_slice %arg4[%sub3A_92, %dma_wait3A_96, %dma_wait3A_97, %dma_wait3A_98] : memref<56x32x336x128xf32, #tpu.memory_space<any>> -> memref<1x32x336x128xf32, #tpu.memory_space<any>>
      %dma_wait3A_100 = tpu.memref_squeeze %dma_wait3A_99 : memref<1x32x336x128xf32, #tpu.memory_space<any>> -> memref<32x336x128xf32, #tpu.memory_space<any>>
      %dma_wait3A_101 = arith.constant 0 : i32
      %dma_wait3A_102 = arith.constant 0 : i32
      %dma_wait3A_103 = arith.constant 0 : i32
      %dma_wait3A_104 = tpu.memref_slice %arg5[%rem3A_94, %dma_wait3A_101, %dma_wait3A_102, %dma_wait3A_103] : memref<2x32x336x128xf32, #tpu.memory_space<vmem>> -> memref<1x32x336x128xf32, #tpu.memory_space<vmem>>
      %dma_wait3A_105 = tpu.memref_squeeze %dma_wait3A_104 : memref<1x32x336x128xf32, #tpu.memory_space<vmem>> -> memref<32x336x128xf32, #tpu.memory_space<vmem>>
      tpu.wait_dma2 semaphore(%dma_wait3A_95 : memref<!tpu.dma_semaphore, #tpu.memory_space<semaphore_mem>>) src(%dma_wait3A_105 : memref<32x336x128xf32, #tpu.memory_space<vmem>>) dst(%dma_wait3A_100 : memref<32x336x128xf32, #tpu.memory_space<any>>)
    } else {
    }
    %mul3A = arith.constant 32 : i32
    %mul3A_6 = arith.muli %rem3A_3, %mul3A : i32
    %get3A = arith.index_cast %mul3A_6 : i32 to index
    %get3A_7 = arith.constant 0 : index
    %get3A_8 = vector.load %arg1[%get3A, %get3A_7] : memref<256x64xf32, #tpu.memory_space<vmem>>, vector<32x64xf32>
    %concatenate3A = tpu.concatenate %get3A_8, %get3A_8 in 1 : vector<32x64xf32>, vector<32x64xf32> -> vector<32x128xf32>
    %get3A_9 = arith.index_cast %div3A_1 : i32 to index
    %get3A_10 = arith.constant 0 : index
    %get3A_11 = vector.load %arg2[%get3A_9, %get3A_10] : memref<40x64xf32, #tpu.memory_space<vmem>>, vector<1x64xf32>
    %concatenate3A_12 = tpu.concatenate %get3A_11, %get3A_11 in 1 : vector<1x64xf32>, vector<1x64xf32> -> vector<1x128xf32>
    %iota3A = tpu.iota {dimensions = array<i32: 0>} : vector<336x128xi32>
    %iota3A_13 = tpu.iota {dimensions = array<i32: 1>} : vector<336x128xi32>
    %mul3A_14 = arith.constant 2 : i32
    %mul3A_15 = vector.broadcast %mul3A_14 : i32 to vector<336x128xi32>
    %mul3A_16 = arith.muli %mul3A_15, %iota3A : vector<336x128xi32>
    %jit3A = arith.constant 64 : i32
    %div3A_17 = vector.broadcast %jit3A : i32 to vector<336x128xi32>
    %div3A_18 = arith.divsi %iota3A_13, %div3A_17 : vector<336x128xi32>
    %sign3A = arith.constant 0 : i32
    %sign3A_19 = vector.broadcast %sign3A : i32 to vector<336x128xi32>
    %sign3A_20 = arith.cmpi sgt, %iota3A_13, %sign3A_19 : vector<336x128xi32>
    %sign3A_21 = arith.extui %sign3A_20 : vector<336x128xi1> to vector<336x128xi32>
    %sign3A_22 = arith.constant 0 : i32
    %sign3A_23 = vector.broadcast %sign3A_22 : i32 to vector<336x128xi32>
    %sign3A_24 = arith.cmpi slt, %iota3A_13, %sign3A_23 : vector<336x128xi32>
    %sign3A_25 = arith.extui %sign3A_24 : vector<336x128xi1> to vector<336x128xi32>
    %sign3A_26 = arith.subi %sign3A_21, %sign3A_25 : vector<336x128xi32>
    %sign3A_27 = arith.constant 0 : i32
    %sign3A_28 = arith.cmpi sgt, %jit3A, %sign3A_27 : i32
    %sign3A_29 = arith.extui %sign3A_28 : i1 to i32
    %sign3A_30 = arith.constant 0 : i32
    %sign3A_31 = arith.cmpi slt, %jit3A, %sign3A_30 : i32
    %sign3A_32 = arith.extui %sign3A_31 : i1 to i32
    %sign3A_33 = arith.subi %sign3A_29, %sign3A_32 : i32
    %ne3A = vector.broadcast %sign3A_33 : i32 to vector<336x128xi32>
    %ne3A_34 = arith.cmpi ne, %sign3A_26, %ne3A : vector<336x128xi32>
    %rem3A_35 = vector.broadcast %jit3A : i32 to vector<336x128xi32>
    %rem3A_36 = arith.remsi %iota3A_13, %rem3A_35 : vector<336x128xi32>
    %ne3A_37 = arith.constant 0 : i32
    %ne3A_38 = vector.broadcast %ne3A_37 : i32 to vector<336x128xi32>
    %ne3A_39 = arith.cmpi ne, %rem3A_36, %ne3A_38 : vector<336x128xi32>
    %and3A = arith.andi %ne3A_34, %ne3A_39 : vector<336x128xi1>
    %sub3A = arith.constant 1 : i32
    %sub3A_40 = vector.broadcast %sub3A : i32 to vector<336x128xi32>
    %sub3A_41 = arith.subi %div3A_18, %sub3A_40 : vector<336x128xi32>
    %select_n3A = arith.select %and3A, %sub3A_41, %div3A_18 : vector<336x128xi1>, vector<336x128xi32>
    %add3A = arith.addi %mul3A_16, %select_n3A : vector<336x128xi32>
    %rem3A_42 = arith.constant 3 : i32
    %rem3A_43 = vector.broadcast %rem3A_42 : i32 to vector<336x128xi32>
    %rem3A_44 = arith.remsi %add3A, %rem3A_43 : vector<336x128xi32>
    %get3A_45 = arith.constant 0 : index
    %get3A_46 = arith.constant 0 : index
    %get3A_47 = vector.load %arg3[%get3A_45, %get3A_46] : memref<336x128xf32, #tpu.memory_space<vmem>>, vector<336x128xf32>
    %broadcast_in_dim3A = vector.shape_cast %get3A_47 : vector<336x128xf32> to vector<1x336x128xf32>
    %broadcast_in_dim3A_48 = vector.shape_cast %broadcast_in_dim3A : vector<1x336x128xf32> to vector<1x336x128xf32>
    %broadcast_in_dim3A_49 = vector.broadcast %broadcast_in_dim3A_48 : vector<1x336x128xf32> to vector<32x336x128xf32>
    %eq3A = arith.constant 1 : i32
    %eq3A_50 = vector.broadcast %eq3A : i32 to vector<336x128xi32>
    %eq3A_51 = arith.cmpi eq, %rem3A_44, %eq3A_50 : vector<336x128xi32>
    %broadcast_in_dim3A_52 = vector.shape_cast %eq3A_51 : vector<336x128xi1> to vector<1x336x128xi1>
    %broadcast_in_dim3A_53 = vector.shape_cast %concatenate3A : vector<32x128xf32> to vector<32x1x128xf32>
    %broadcast_in_dim3A_54 = vector.shape_cast %broadcast_in_dim3A_52 : vector<1x336x128xi1> to vector<1x336x128xi1>
    %broadcast_in_dim3A_55 = vector.broadcast %broadcast_in_dim3A_54 : vector<1x336x128xi1> to vector<32x336x128xi1>
    %broadcast_in_dim3A_56 = vector.shape_cast %broadcast_in_dim3A_53 : vector<32x1x128xf32> to vector<32x1x128xf32>
    %broadcast_in_dim3A_57 = vector.broadcast %broadcast_in_dim3A_56 : vector<32x1x128xf32> to vector<32x336x128xf32>
    %select_n3A_58 = arith.select %broadcast_in_dim3A_55, %broadcast_in_dim3A_57, %broadcast_in_dim3A_49 : vector<32x336x128xi1>, vector<32x336x128xf32>
    %eq3A_59 = arith.constant 2 : i32
    %eq3A_60 = vector.broadcast %eq3A_59 : i32 to vector<336x128xi32>
    %eq3A_61 = arith.cmpi eq, %rem3A_44, %eq3A_60 : vector<336x128xi32>
    %broadcast_in_dim3A_62 = vector.shape_cast %eq3A_61 : vector<336x128xi1> to vector<1x336x128xi1>
    %broadcast_in_dim3A_63 = vector.shape_cast %concatenate3A_12 : vector<1x128xf32> to vector<1x1x128xf32>
    %broadcast_in_dim3A_64 = vector.shape_cast %broadcast_in_dim3A_62 : vector<1x336x128xi1> to vector<1x336x128xi1>
    %broadcast_in_dim3A_65 = vector.broadcast %broadcast_in_dim3A_64 : vector<1x336x128xi1> to vector<32x336x128xi1>
    %broadcast_in_dim3A_66 = vector.shape_cast %broadcast_in_dim3A_63 : vector<1x1x128xf32> to vector<1x1x128xf32>
    %broadcast_in_dim3A_67 = vector.broadcast %broadcast_in_dim3A_66 : vector<1x1x128xf32> to vector<32x336x128xf32>
    %select_n3A_68 = arith.select %broadcast_in_dim3A_65, %broadcast_in_dim3A_67, %select_n3A_58 : vector<32x336x128xi1>, vector<32x336x128xf32>
    %swap3A = arith.index_cast %rem3A_0 : i32 to index
    %swap3A_69 = arith.constant 0 : index
    %swap3A_70 = arith.constant 0 : index
    %swap3A_71 = arith.constant 0 : index
    %swap3A_72 = vector.load %arg5[%swap3A, %swap3A_69, %swap3A_70, %swap3A_71] : memref<2x32x336x128xf32, #tpu.memory_space<vmem>>, vector<1x32x336x128xf32>
    %swap3A_73 = vector.shape_cast %swap3A_72 : vector<1x32x336x128xf32> to vector<32x336x128xf32>
    %swap3A_74 = vector.shape_cast %select_n3A_68 : vector<32x336x128xf32> to vector<1x32x336x128xf32>
    tpu.vector_store %arg5[%swap3A, %swap3A_69, %swap3A_70, %swap3A_71], %swap3A_74 {strides = array<i32>} : memref<2x32x336x128xf32, #tpu.memory_space<vmem>>, vector<1x32x336x128xf32>,
    %dma_start3A = tpu.memref_slice %arg6[%rem3A_0] : memref<2x!tpu.dma_semaphore, #tpu.memory_space<semaphore_mem>> -> memref<1x!tpu.dma_semaphore, #tpu.memory_space<semaphore_mem>>
    %dma_start3A_75 = tpu.memref_squeeze %dma_start3A : memref<1x!tpu.dma_semaphore, #tpu.memory_space<semaphore_mem>> -> memref<!tpu.dma_semaphore, #tpu.memory_space<semaphore_mem>>
    %dma_start3A_76 = arith.constant 0 : i32
    %dma_start3A_77 = arith.constant 0 : i32
    %dma_start3A_78 = arith.constant 0 : i32
    %dma_start3A_79 = tpu.memref_slice %arg4[%arg0, %dma_start3A_76, %dma_start3A_77, %dma_start3A_78] : memref<56x32x336x128xf32, #tpu.memory_space<any>> -> memref<1x32x336x128xf32, #tpu.memory_space<any>>
    %dma_start3A_80 = tpu.memref_squeeze %dma_start3A_79 : memref<1x32x336x128xf32, #tpu.memory_space<any>> -> memref<32x336x128xf32, #tpu.memory_space<any>>
    %dma_start3A_81 = arith.constant 0 : i32
    %dma_start3A_82 = arith.constant 0 : i32
    %dma_start3A_83 = arith.constant 0 : i32
    %dma_start3A_84 = tpu.memref_slice %arg5[%rem3A_0, %dma_start3A_81, %dma_start3A_82, %dma_start3A_83] : memref<2x32x336x128xf32, #tpu.memory_space<vmem>> -> memref<1x32x336x128xf32, #tpu.memory_space<vmem>>
    %dma_start3A_85 = tpu.memref_squeeze %dma_start3A_84 : memref<1x32x336x128xf32, #tpu.memory_space<vmem>> -> memref<32x336x128xf32, #tpu.memory_space<vmem>>
    tpu.enqueue_dma source(%dma_start3A_85 : memref<32x336x128xf32, #tpu.memory_space<vmem>>) target(%dma_start3A_80 : memref<32x336x128xf32, #tpu.memory_space<any>>) target_semaphore(%dma_start3A_75 : memref<!tpu.dma_semaphore, #tpu.memory_space<semaphore_mem>>)
    %eq3A_86 = arith.constant 55 : i32
    %eq3A_87 = arith.cmpi eq, %arg0, %eq3A_86 : i32
    %convert_element_type3A_88 = arith.extui %eq3A_87 : i1 to i32
    %cond3A_89 = arith.constant 0 : i32
    %cond3A_90 = arith.cmpi ne, %convert_element_type3A_88, %cond3A_89 : i32
    scf.if %cond3A_90 {
      %sub3A_91 = arith.constant 1 : i32
      %sub3A_92 = arith.subi %arg0, %sub3A_91 : i32
      %rem3A_93 = arith.constant 2 : i32
      %rem3A_94 = arith.remsi %sub3A_92, %rem3A_93 : i32
      %dma_wait3A = tpu.memref_slice %arg6[%rem3A_94] : memref<2x!tpu.dma_semaphore, #tpu.memory_space<semaphore_mem>> -> memref<1x!tpu.dma_semaphore, #tpu.memory_space<semaphore_mem>>
      %dma_wait3A_95 = tpu.memref_squeeze %dma_wait3A : memref<1x!tpu.dma_semaphore, #tpu.memory_space<semaphore_mem>> -> memref<!tpu.dma_semaphore, #tpu.memory_space<semaphore_mem>>
      %dma_wait3A_96 = arith.constant 0 : i32
      %dma_wait3A_97 = arith.constant 0 : i32
      %dma_wait3A_98 = arith.constant 0 : i32
      %dma_wait3A_99 = tpu.memref_slice %arg4[%sub3A_92, %dma_wait3A_96, %dma_wait3A_97, %dma_wait3A_98] : memref<56x32x336x128xf32, #tpu.memory_space<any>> -> memref<1x32x336x128xf32, #tpu.memory_space<any>>
      %dma_wait3A_100 = tpu.memref_squeeze %dma_wait3A_99 : memref<1x32x336x128xf32, #tpu.memory_space<any>> -> memref<32x336x128xf32, #tpu.memory_space<any>>
      %dma_wait3A_101 = arith.constant 0 : i32
      %dma_wait3A_102 = arith.constant 0 : i32
      %dma_wait3A_103 = arith.constant 0 : i32
      %dma_wait3A_104 = tpu.memref_slice %arg5[%rem3A_94, %dma_wait3A_101, %dma_wait3A_102, %dma_wait3A_103] : memref<2x32x336x128xf32, #tpu.memory_space<vmem>> -> memref<1x32x336x128xf32, #tpu.memory_space<vmem>>
      %dma_wait3A_105 = tpu.memref_squeeze %dma_wait3A_104 : memref<1x32x336x128xf32, #tpu.memory_space<vmem>> -> memref<32x336x128xf32, #tpu.memory_space<vmem>>
      tpu.wait_dma2 semaphore(%dma_wait3A_95 : memref<!tpu.dma_semaphore, #tpu.memory_space<semaphore_mem>>) src(%dma_wait3A_105 : memref<32x336x128xf32, #tpu.memory_space<vmem>>) dst(%dma_wait3A_100 : memref<32x336x128xf32, #tpu.memory_space<any>>)
      %rem3A_106 = arith.constant 2 : i32
      %rem3A_107 = arith.remsi %arg0, %rem3A_106 : i32
      %dma_wait3A_108 = tpu.memref_slice %arg6[%rem3A_107] : memref<2x!tpu.dma_semaphore, #tpu.memory_space<semaphore_mem>> -> memref<1x!tpu.dma_semaphore, #tpu.memory_space<semaphore_mem>>
      %dma_wait3A_109 = tpu.memref_squeeze %dma_wait3A_108 : memref<1x!tpu.dma_semaphore, #tpu.memory_space<semaphore_mem>> -> memref<!tpu.dma_semaphore, #tpu.memory_space<semaphore_mem>>
      %dma_wait3A_110 = arith.constant 0 : i32
      %dma_wait3A_111 = arith.constant 0 : i32
      %dma_wait3A_112 = arith.constant 0 : i32
      %dma_wait3A_113 = tpu.memref_slice %arg4[%arg0, %dma_wait3A_110, %dma_wait3A_111, %dma_wait3A_112] : memref<56x32x336x128xf32, #tpu.memory_space<any>> -> memref<1x32x336x128xf32, #tpu.memory_space<any>>
      %dma_wait3A_114 = tpu.memref_squeeze %dma_wait3A_113 : memref<1x32x336x128xf32, #tpu.memory_space<any>> -> memref<32x336x128xf32, #tpu.memory_space<any>>
      %dma_wait3A_115 = arith.constant 0 : i32
      %dma_wait3A_116 = arith.constant 0 : i32
      %dma_wait3A_117 = arith.constant 0 : i32
      %dma_wait3A_118 = tpu.memref_slice %arg5[%rem3A_107, %dma_wait3A_115, %dma_wait3A_116, %dma_wait3A_117] : memref<2x32x336x128xf32, #tpu.memory_space<vmem>> -> memref<1x32x336x128xf32, #tpu.memory_space<vmem>>
      %dma_wait3A_119 = tpu.memref_squeeze %dma_wait3A_118 : memref<1x32x336x128xf32, #tpu.memory_space<vmem>> -> memref<32x336x128xf32, #tpu.memory_space<vmem>>
      tpu.wait_dma2 semaphore(%dma_wait3A_109 : memref<!tpu.dma_semaphore, #tpu.memory_space<semaphore_mem>>) src(%dma_wait3A_119 : memref<32x336x128xf32, #tpu.memory_space<vmem>>) dst(%dma_wait3A_114 : memref<32x336x128xf32, #tpu.memory_space<any>>)
    } else {
    }
    return
  }
  func.func @transform_0(%arg0: i32) -> (i32, i32) {
    %c0_i32 = arith.constant 0 : i32
    %c0_i32_0 = arith.constant 0 : i32
    %c0_i32_1 = arith.constant 0 : i32
    return %c0_i32, %c0_i32_0 : i32, i32
  }
  func.func @transform_1(%arg0: i32) -> (i32, i32) {
    %c0_i32 = arith.constant 0 : i32
    %c0_i32_0 = arith.constant 0 : i32
    %c0_i32_1 = arith.constant 0 : i32
    return %c0_i32, %c0_i32_0 : i32, i32
  }
  func.func @transform_2(%arg0: i32) -> (i32, i32) {
    %c0_i32 = arith.constant 0 : i32
    %c0_i32_0 = arith.constant 0 : i32
    %c0_i32_1 = arith.constant 0 : i32
    return %c0_i32, %c0_i32_0 : i32, i32
  }
}

</mosaic_0001>

<sc_bundles>
// kernel: sparse-core-data-format-call.cloned.1.call-start
scs
called_computation_lowered:
.L_overlay_start_0:
0x0: {  	s2 =	sld [smem:$0x3FD9]  }
0x1: {  	s3 =	sld [smem:$0x3FFE];
	_ =	sdelay $0x1  }
0x2: {  	s1 =	srdreg.scid  }
0x3: {  	s0 =	sand.u32 $0x1, s1  }
0x4: {  	s18 =	sshll.u32 s0, $0xA;
	s2 =	sadd.s32 s3, s2  }
0x5: {  	s2 =	sadd.s32 s2, s18  }
0x6: {  	[smem:$0x3FC5] =	sst s2  }
0x7: {  	_ = 	snop  }
0x8: {  	s2 =	sld [smem:$0x3FD0];
	(tm) =	ssettm $0x1  }
0x9: {  	s19 =	sld [smem:$0x3FFB];
	_ =	sdelay $0x3  }
0xa: {  	_ =	strace s19  }
0xb: {  	s3 =	sld [smem:$0x3FFC];
	_ =	sdelay $0x3  }
0xc: {  	_ =	strace s3  }
0xd: {  	s3 =	sld [smem:$0x3FFD];
	_ =	sdelay $0x3  }
0xe: {  	_ =	strace s3  }
0xf: {  	_ =	strace $0x8FFFFFFF  }
0x10: {  	s20 =	sld [smem:$0x3FDB];
	_ =	sdelay $0x1  }
0x11: {  	s4 =	simm.s32 $_scs_section_size  }
0x12: {  	s5 =	simm.s32 $_size__tile_overlayer_lowered;
	s6 =	simm.s32 $_tile_overlayer_lowered  }
0x13: {  	s23 =	simm.s32 $0x1BFF;
	s22 =	sshll.u32 s6, $0x1;
	s3 =	sadd.s32 s4, s20  }
0x14: {  	s7 =	simm.s32 $0x0;
	s21 =	sshll.u32 s5, $0x1;
	s5 =	sadd.s32 s22, s3  }
0x15: {  	[timem:s7], [sflag:s23] =	dma.local [hbm:s5], s21  }
0x16: {  	_ =	swait.ge [sflag:s23], s21  }
0x17: {  	s4 =	ssub.s32 $0x0, s21;
	[sflag:s23] =	ssyncset.done $0x0  }
0x18: {  	[sflag:s23] =	ssyncadd.s32 s4;
	_ =	sdelay $0x1  }
0x19: {  	s24 =	simm.s32 $0x1B8B  }
0x1a: {  	_ =	swait.ge [sflag:s24], $0x1  }
0x1b: {  	[sflag:s24] =	ssyncset.done $0x0  }
0x1c: {  	s26 =	simm.s32 $0x1B8E;
	s25 =	sld [smem:$0x3FFE];
	[sflag:s24] =	ssyncadd.s32 $0xFFFFFFFF  }
0x1d: {  	s27 =	simm.s32 $execute0_lowered;
	[smem:$0x3FD2] =	sst s26  }
0x1e: {  	s5 =	sshll.u32 s27, $0x1;
	_ =	strace $0x80000046;
	[dreg:$0x1] =	wrdreg $0xFFFFFFFF  }
0x1f: {  	s28 =	simm.s32 $_size_execute0_lowered;
	s3 =	sadd.s32 s3, s5;
	[dreg:$0x0] =	wrdreg $0x0  }
0x20: {  	s5 =	sshll.u32 s28, $0x1;
	[dreg:$0x2] =	wrdreg s3  }
0x21: {  	[dreg:$0x3] =	wrdreg s5  }
0x22: {  	[dreg:$0x4] =	wrdreg $0xC0  }
0x23: {  	_ =	task [dreg:s7], $0x5FFFF  }
0x24: {  	[dreg:$0x1] =	wrdreg $0xFFFFFFFF  }
0x25: {  	[dreg:$0x0] =	wrdreg $0x60  }
0x26: {  	[dreg:$0x2] =	wrdreg s25  }
0x27: {  	[dreg:$0x3] =	wrdreg s2  }
0x28: {  	[dreg:$0x4] =	wrdreg $0x9  }
0x29: {  	_ =	task.clear_ibuf [dreg:s7], $0x5FFFF;
	_ =	strace $0x90000046  }
0x2a: {  	s29 =	simm.s32 $0x9;
	_ =	strace $0x80000048  }
0x2b: {  	_ =	swait.ge [sflag:s29], $0x1  }
0x2c: {  	[sflag:s29] =	ssyncadd.s32 $0xFFFFFFFF  }
0x2d: {  	_ =	strace $0x90000048  }
0x2e: {  	_ =	sfence  }
0x2f: {  	s30 =	sld [smem:$0x0];
	_ =	sdelay $0x2  }
0x30: {  	s31 =	sshll.u32 s1, $0xD;
	s1 =	sshrl.u32 s1, $0x2  }
0x31: {  	s3 =	sand.u32 $0x4000, s31;
	s1 =	sadd.s32 s1, s30  }
0x32: {  	s0 =	sor.u32 s3, s0;
	s1 =	sshll.u32 s1, $0x11  }
0x33: {  	s0 =	sor.u32 s1, s0  }
0x34: {  	s0 =	sadd.s32 $0x8F2B, s0  }
0x35: {  	[sflag:s0] =	ssyncadd.remote.s32 $0x1  }
0x36: {  	_ =	sfence.sel $0xFFFF  }
0x37: {  	[dreg:$0x0] =	wrdreg $0xFFFFFFFF;
	(pc) =	sbr.abs _section_cstart, $3  }
0x38: {  	[dreg:$0x1] =	wrdreg $0xFFFFFFFF  }
0x39: {  	_ =	task.clear_ibuf [dreg:s7], $0x2FFFF;
	_ =	strace $0x9FFFFFFF  }
0x3a: {  	(tm) =	ssettm $0x7FFFFFFF  }
0x3b: {  	_ =	shalt  }
tec
execute0_lowered:
.L_overlay_start_1:
0x0: {  	(tag) =	ssettag $0x1  }
0x1: {  	s0 =	rddreg [dreg:$0x0];
	s1 =	srdreg.scid  }
0x2: {  	_ =	strace $0x80000047;
	s2 =	stileid.u32;
	s30 =	simm.s32 $0x1  }
0x3: {  	s31 =	simm.s32 $0x2;
	s21 =	simm.s32 $0x0;
	s10 =	simm.s32 $0x800  }
0x4: {  	s20 =	simm.s32 $0x0;
	s22 =	simm.s32 $0x0;
	s23 =	simm.s32 $0x0  }
0x5: {  	s11 =	simm.s32 $0x0;
	s12 =	simm.s32 $0x0;
	s14 =	simm.s32 $0x0  }
0x6: {  	s16 =	simm.s32 $0x0;
	s15 =	simm.s32 $0x0;
	s17 =	simm.s32 $0x0  }
.Ltmp0:
0x7: {  	s0 =	sadd.s32 $0x600, s0;
	s29 =	sshll.u32 s1, $0x4;
	(pc) =	sbr.rel .LBB1_1-.Ltmp0, $4  }
0x8: {  	s13 =	simm.s32 $0x0;
	[dreg:$0x3] =	wrdreg s0;
	s0 =	sand.u32 $0x10, s29  }
0x9: {  	[sflag:s30] =	ssyncpa.u1 $0x0;
	s8 =	sand.u32 $0x7, s2;
	s0 =	sor.u32 s2, s0  }
0xa: {  	[sflag:s31] =	ssyncpa.u1 $0x0;
	[dreg:$0x4] =	wrdreg s8;
	s9 =	sshrl.u32 s0, $0x3  }
0xb: {  	s19 =	smov.u32 s8;
	s18 =	smov.u32 s9;
	[dreg:$0x5] =	wrdreg s9  }
.LBB1_18:
0xc: {  	s11 =	rddreg [dreg:$0x6]  }
0xd: {  	s12 =	rddreg [dreg:$0x7]  }
0xe: {  	s4 =	rddreg [dreg:$0x14]  }
0xf: {  	s5 =	rddreg [dreg:$0x15]  }
0x10: {  	s23 =	rddreg [dreg:$0x13]  }
0x11: {  	s16 =	rddreg [dreg:$0xb]  }
0x12: {  	s14 =	rddreg [dreg:$0x9]  }
0x13: {  	s27 =	rddreg [dreg:$0x1]  }
0x14: {  	s30 =	rddreg [dreg:$0x16]  }
0x15: {  	s8 =	rddreg [dreg:$0x4]  }
0x16: {  	s9 =	rddreg [dreg:$0x5]  }
0x17: {  	s13 =	rddreg [dreg:$0x8]  }
0x18: {  	s15 =	rddreg [dreg:$0xa]  }
0x19: {  	s17 =	rddreg [dreg:$0xc]  }
0x1a: {  	s18 =	rddreg [dreg:$0xd]  }
0x1b: {  	s19 =	rddreg [dreg:$0xe]  }
0x1c: {  	s10 =	simm.s32 $0x800;
	s20 =	rddreg [dreg:$0xf];
	s0 =	sshll.u32 s11, $0x8  }
0x1d: {  	s1 =	sshll.u32 s12, $0x3;
	s2 =	sshll.u32 s11, $0x7;
	p0 =	sgt.s32 s12, $0x80  }
0x1e: {  	s3 =	smov.u32 s12;
	s24 =	sand.u32 $0x78, s12;
	s25 =	smul.u32 $0x150000, s16  }
0x1f: {  	s26 =	smul.u32 $0x1800, s14;
	s28 =	sand.u32 $0x7, s12;
	s0 =	sand.u32 $0xFFFFF800, s0  }
0x20: {  	s1 =	sand.u32 $0xFFFFFC00, s1;
	s21 =	sand.u32 $0x300, s2;
	s3 =	simm.s32 @!p0 $0x80  }
0x21: {  	p0 =	sgt.s32 s11, $0x40;
	s2 =	sand.u32 $0x80, s2;
	s29 =	sshll.u32 s28, $0x12  }
0x22: {  	s0 =	sadd.s32 s1, s0;
	s1 =	smov.u32 s11;
	s3 =	sadd.s32 s4, s3  }
0x23: {  	s2 =	sor.u32 s24, s2;
	s31 =	sor.u32 $0x400, s29;
	s0 =	sor.u32 s21, s0  }
0x24: {  	s1 =	simm.s32 @!p0 $0x40;
	s4 =	sadd.s32 $0xFFFFFF80, s3;
	s0 =	sshrl.u32 s0, $0x8  }
0x25: {  	s3 =	ssub.s32 $0x100, s3;
	s2 =	sshrl.u32 s2, $0x3;
	s22 =	smulhi.u32 $0x1555556, s0  }
0x26: {  	s21 =	rddreg [dreg:$0x10];
	s1 =	sadd.s32 s5, s1;
	p0 =	sgt.s32 s4, $0x7F  }
0x27: {  	s5 =	sadd.s32 $0xFFFFFFC0, s1;
	s3 =	simm.s32 @p0 $0x0;
	s4 =	smul.u32 $0xC0, s22  }
0x28: {  	s1 =	ssub.s32 $0xC0, s1;
	p0 =	sgt.s32 s5, $0x7F;
	s3 =	smul.u32 s23, s3  }
0x29: {  	s1 =	simm.s32 @p0 $0x0;
	s0 =	ssub.s32 s0, s4;
	s4 =	sadd.s32 s27, s25  }
0x2a: {  	s23 =	rddreg [dreg:$0x12];
	s1 =	smul.u32 s1, s3;
	s3 =	sadd.s32 s26, s4  }
0x2b: {  	s22 =	rddreg [dreg:$0x11];
	s0 =	sshll.u32 s0, $0x5;
	s2 =	sadd.s32 s2, s3  }
0x2c: {  	s1 =	sand.u32 $0x3FFFFFFF, s1;
	s4 =	sor.u32 $0x8000, s30;
	s0 =	sadd.s32 s0, s2  }
0x2d: {  	[hbm4b:s0+s31] =	stream.strided.scatter [tilespmem:s4], [sflag:$0x2], s1, s10, s31, $0x20;
	[tilespmem:$0x10100] =	vst v63  }
.LBB1_19:
0x2e: {  	p0 =	slt.u32 s13, $0x2  }
0x2f: {  	s0 =	smov.u32 s23;
	s2 =	smov.u32 s22;
	s5 =	smov.u32 s20  }
0x30: {  	s13 =	sadd.s32 $0x1, s13;
	p1 =	sgt.s32 @!p0 s23, $0x7;
	s1 =	sshra.s32 @!p0 s23, $0x1F  }
0x31: {  	s3 =	sshra.s32 @!p0 s22, $0x1F;
	p3 =	sgt.s32 @!p0 s20, $0x80;
	p1 =	por !p1, p0  }
0x32: {  	s4 =	sshra.s32 @!p0 s20, $0x1F;
	s1 =	sand.u32 @!p0 s1, s23;
	s0 =	simm.s32 @p1 $0x7  }
0x33: {  	s4 =	sand.u32 @!p0 s4, s20;
	p1 =	sgt.s32 @!p0 s22, $0xDF;
	s0 =	ssub.s32 @!p0 s0, s1  }
0x34: {  	s20 =	smov.u32 s12;
	p1 =	por !p1, p0;
	s1 =	sadd.s32 @!p0 $0xFFFFFFF9, s0  }
0x35: {  	s2 =	simm.s32 @p1 $0xDF;
	p2 =	sgt.s32 @!p0 s1, $0x0;
	s1 =	sand.u32 @!p0 s3, s22  }
0x36: {  	s0 =	ssub.s32 @!p0 $0x8, s0;
	p1 =	por !p2, p0;
	s1 =	ssub.s32 @!p0 s2, s1  }
0x37: {  	s3 =	smov.u32 s21;
	s0 =	simm.s32 @!p1 $0x0;
	s2 =	sadd.s32 @!p0 $0xFFFFFF21, s1  }
0x38: {  	p1 =	sgt.s32 @!p0 s21, $0x40;
	p2 =	sgt.s32 @!p0 s2, $0x0;
	s2 =	sshra.s32 @!p0 s21, $0x1F  }
0x39: {  	s1 =	ssub.s32 @!p0 $0xE0, s1;
	p1 =	por !p1, p0;
	s2 =	sand.u32 @!p0 s2, s21  }
0x3a: {  	s3 =	simm.s32 @p1 $0x40;
	p1 =	por !p3, p0;
	p2 =	por !p2, p0  }
0x3b: {  	s5 =	simm.s32 @p1 $0x80;
	s1 =	simm.s32 @!p2 $0x0;
	s2 =	ssub.s32 @!p0 s3, s2  }
0x3c: {  	s3 =	ssub.s32 @!p0 s5, s4;
	s0 =	smul.u32 @!p0 s0, s1;
	s1 =	sadd.s32 @!p0 $0xFFFFFFC0, s2  }
0x3d: {  	s5 =	smov.u32 s17;
	s4 =	sadd.s32 @!p0 $0xFFFFFF80, s3;
	p1 =	sgt.s32 @!p0 s1, $0x7F  }
0x3e: {  	s1 =	ssub.s32 @!p0 $0xC0, s2;
	s2 =	ssub.s32 @!p0 $0x100, s3;
	p2 =	sgt.s32 @!p0 s4, $0x7F  }
0x3f: {  	s3 =	sadd.s32 $0x80, s15;
	s4 =	sadd.s32 $0x80, s17;
	p2 =	por !p2, p0  }
0x40: {  	p1 =	por !p1, p0;
	s2 =	simm.s32 @!p2 $0x0;
	p2 =	sgt.s32 s3, $0xBF  }
0x41: {  	s1 =	simm.s32 @!p1 $0x0;
	s0 =	smul.u32 @!p0 s2, s0;
	s5 =	smov.u32 @p2 s4  }
0x42: {  	s2 =	sadd.s32 $0x4, s18;
	s4 =	smov.u32 s18;
	p1 =	sgt.s32 s5, $0xDF  }
0x43: {  	s3 =	simm.s32 @p2 $0x0;
	s0 =	smul.u32 @!p0 s1, s0;
	s4 =	smov.u32 @p1 s2  }
0x44: {  	s1 =	sadd.s32 $0x8, s19;
	s2 =	smov.u32 s19;
	p2 =	sgt.s32 s4, $0xDF  }
0x45: {  	s23 =	smov.u32 s16;
	s12 =	smov.u32 s17;
	s2 =	smov.u32 @p2 s1  }
0x46: {  	s16 =	smov.u32 s19;
	s5 =	simm.s32 @p1 $0x0;
	p1 =	sgt.s32 s2, $0x7  }
0x47: {  	s22 =	smov.u32 s14;
	s2 =	smov.u32 @p1 s8;
	p1 =	sne.s32 s13, $0xE2  }
.Ltmp1:
0x48: {  	s14 =	smov.u32 s18;
	s21 =	smov.u32 s11;
	(pc) =	sbr.rel @!p1 .LBB1_20-.Ltmp1, $4  }
0x49: {  	s11 =	smov.u32 s15;
	s0 =	sand.u32 @!p0 $0x3FFFFFFF, s0;
	s1 =	simm.s32 @!p0 $0x2  }
0x4a: {  	s15 =	smov.u32 s3;
	s17 =	smov.u32 s5;
	_ =	swait.ge @!p0 [sflag:s1], s0  }
0x4b: {  	s4 =	smov.u32 @p2 s9;
	s0 =	ssub.s32 @!p0 $0x0, s0;
	[sflag:s1] =	ssyncset.done @!p0 $0x0  }
0x4c: {  	s18 =	smov.u32 s4;
	[sflag:s1] =	ssyncadd.s32 @!p0 s0;
	s19 =	smov.u32 s2  }
.LBB1_1:
0x4d: {  	p0 =	sgt.u32 s13, $0xDF  }
.Ltmp2:
0x4e: {  	_ = 	snop;
	(pc) =	sbr.rel @p0 .LBB1_3-.Ltmp2, $1  }
0x4f: {  	_ =	sdelay $0x3  }
0x50: {  	s0 =	sand.u32 $0x78, s15;
	s1 =	sshll.u32 s17, $0x8  }
0x51: {  	s2 =	sshll.u32 s15, $0x3;
	s3 =	sshll.u32 s17, $0x7;
	p0 =	sgt.s32 s19, $0x7  }
0x52: {  	s26 =	sshra.s32 s19, $0x1F;
	s4 =	smov.u32 s18;
	s5 =	sshra.s32 s18, $0x1F  }
0x53: {  	s29 =	sshra.s32 s17, $0x1F;
	s31 =	sshra.s32 s15, $0x1F;
	s1 =	sand.u32 $0xFFFFF800, s1  }
0x54: {  	s2 =	sand.u32 $0xFFFFFC00, s2;
	s25 =	sand.u32 $0x300, s3;
	s3 =	sand.u32 $0x80, s3  }
0x55: {  	s27 =	sand.u32 s5, s18;
	s30 =	sand.u32 s29, s17;
	s29 =	sand.u32 $0x7, s15  }
0x56: {  	s1 =	sadd.s32 s1, s2;
	s0 =	sor.u32 s0, s3;
	s2 =	smov.u32 s19  }
0x57: {  	s3 =	sand.u32 s26, s19;
	s26 =	smul.u32 $0x1C00, s18;
	s1 =	sor.u32 s25, s1  }
0x58: {  	s2 =	simm.s32 @!p0 $0x7;
	p0 =	sgt.s32 s18, $0xDF;
	s25 =	smul.u32 $0x188000, s19  }
0x59: {  	s0 =	sshrl.u32 s0, $0x3;
	s1 =	sshrl.u32 s1, $0x8;
	s2 =	ssub.s32 s2, s3  }
0x5a: {  	s4 =	simm.s32 @!p0 $0xDF;
	s28 =	smulhi.u32 $0x124924A, s1;
	s6 =	sadd.s32 $0xFFFFFFF9, s2  }
0x5b: {  	s3 =	ssub.s32 s4, s27;
	s2 =	ssub.s32 $0x8, s2;
	p0 =	sgt.s32 s6, $0x0  }
0x5c: {  	s4 =	sadd.s32 $0xFFFFFF21, s3;
	s3 =	ssub.s32 $0xE0, s3;
	s6 =	sand.u32 s31, s15  }
0x5d: {  	s2 =	simm.s32 @p0 $0x0;
	p0 =	sgt.s32 s4, $0x0;
	s4 =	smov.u32 s17  }
0x5e: {  	s5 =	smul.u32 $0xE0, s28;
	s3 =	simm.s32 @p0 $0x0;
	p0 =	sgt.s32 s17, $0x60  }
0x5f: {  	s28 =	rddreg [dreg:$0x3];
	s2 =	smul.u32 s2, s3;
	s4 =	simm.s32 @!p0 $0x60  }
0x60: {  	p0 =	sgt.s32 s15, $0x80;
	s3 =	ssub.s32 s4, s30;
	s4 =	smov.u32 s15  }
0x61: {  	s1 =	ssub.s32 s1, s5;
	s7 =	sadd.s32 $0xFFFFFFA0, s3;
	s4 =	simm.s32 @!p0 $0x80  }
0x62: {  	s3 =	ssub.s32 $0xE0, s3;
	p0 =	sgt.s32 s7, $0x7F;
	s4 =	ssub.s32 s4, s6  }
0x63: {  	s1 =	sshll.u32 s1, $0x5;
	s3 =	simm.s32 @p0 $0x0;
	s24 =	sadd.s32 $0xFFFFFF80, s4  }
0x64: {  	s2 =	smul.u32 s3, s2;
	p0 =	sgt.s32 s24, $0x7F;
	s3 =	ssub.s32 $0x100, s4  }
0x65: {  	s30 =	sshll.u32 s29, $0x12;
	s4 =	sadd.s32 s28, s25;
	s3 =	simm.s32 @p0 $0x0  }
0x66: {  	s7 =	sxor.u32 $0xFFFFFFFF, s13;
	s4 =	sadd.s32 s26, s4;
	s2 =	smul.u32 s3, s2  }
0x67: {  	s31 =	sor.u32 $0x400, s30;
	s6 =	sshll.u32 s7, $0xE;
	s0 =	sadd.s32 s0, s4  }
0x68: {  	s27 =	sand.u32 $0x4000, s6;
	s0 =	sadd.s32 s1, s0;
	s2 =	sand.u32 $0x3FFFFFFF, s2  }
0x69: {  	[tilespmem:s27], [sflag:$0x1] =	stream.strided.gather [hbm4b:s0+s31], s2, s10, s31, $0x38;
	[tilespmem:$0x10100] =	vst v63  }
.LBB1_3:
0x6a: {  	p0 =	seq.s32 s13, $0x0  }
0x6b: {  	p1 =	seq.s32 @!p0 s13, $0xE1  }
0x6c: {  	p0 =	por p0, p1  }
.Ltmp3:
0x6d: {  	_ = 	snop;
	(pc) =	sbr.rel @p0 .LBB1_19-.Ltmp3, $1  }
0x6e: {  	_ =	sdelay $0x3  }
0x6f: {  	[dreg:$0x12] =	wrdreg s23  }
0x70: {  	[dreg:$0x11] =	wrdreg s22  }
0x71: {  	[dreg:$0x10] =	wrdreg s21  }
0x72: {  	[dreg:$0xf] =	wrdreg s20  }
0x73: {  	[dreg:$0xe] =	wrdreg s19  }
0x74: {  	[dreg:$0xd] =	wrdreg s18  }
0x75: {  	[dreg:$0xc] =	wrdreg s17  }
0x76: {  	[dreg:$0xa] =	wrdreg s15;
	p0 =	sgt.s32 s16, $0x7;
	s0 =	smov.u32 s16  }
0x77: {  	s1 =	sshra.s32 s16, $0x1F;
	s2 =	sshra.s32 s14, $0x1F;
	s19 =	ssub.s32 $0x0, s12  }
0x78: {  	s20 =	sshra.s32 s12, $0x1F;
	p1 =	sgt.s32 s12, $0x60;
	s4 =	smov.u32 s12  }
0x79: {  	s23 =	ssub.s32 $0x0, s11;
	s24 =	sshra.s32 s11, $0x1F;
	s0 =	simm.s32 @!p0 $0x7  }
0x7a: {  	s1 =	sand.u32 s1, s16;
	p0 =	sgt.s32 s14, $0xDF;
	s2 =	sand.u32 s2, s14  }
0x7b: {  	s4 =	simm.s32 @!p1 $0x60;
	s0 =	ssub.s32 s0, s1;
	s1 =	smov.u32 s14  }
0x7c: {  	s3 =	sadd.s32 $0xFFFFFFF9, s0;
	s1 =	simm.s32 @!p0 $0xDF;
	s0 =	ssub.s32 $0x8, s0  }
0x7d: {  	p0 =	sgt.s32 s3, $0x0;
	s1 =	ssub.s32 s1, s2;
	s2 =	sand.u32 s19, s20  }
0x7e: {  	s3 =	smov.u32 s11;
	s5 =	sadd.s32 $0xFFFFFF21, s1;
	s1 =	ssub.s32 $0xE0, s1  }
0x7f: {  	[dreg:$0x14] =	wrdreg s2;
	s2 =	sadd.s32 s2, s4;
	s0 =	simm.s32 @p0 $0x0  }
0x80: {  	p1 =	sgt.s32 s5, $0x0;
	s21 =	sadd.s32 $0xFFFFFFA0, s2;
	s2 =	ssub.s32 $0xE0, s2  }
0x81: {  	s1 =	simm.s32 @p1 $0x0;
	p0 =	sgt.s32 s21, $0x7F;
	p1 =	sgt.s32 s11, $0x80  }
0x82: {  	s22 =	smul.u32 s0, s1;
	s0 =	sand.u32 s23, s24;
	s3 =	simm.s32 @!p1 $0x80  }
0x83: {  	s2 =	simm.s32 @p0 $0x0;
	[dreg:$0x15] =	wrdreg s0;
	s0 =	sadd.s32 s0, s3  }
0x84: {  	[dreg:$0x6] =	wrdreg s11;
	s25 =	smul.u32 s2, s22;
	s26 =	sadd.s32 $0xFFFFFF80, s0  }
0x85: {  	s0 =	ssub.s32 $0x100, s0;
	s2 =	sadd.s32 $0x1, s16;
	p0 =	sgt.s32 s26, $0x7F  }
0x86: {  	s3 =	sadd.s32 $0x1, s14;
	s0 =	simm.s32 @p0 $0x0;
	p0 =	slt.s32 s2, $0x8  }
0x87: {  	[dreg:$0xb] =	wrdreg s16;
	s2 =	simm.s32 @!p0 $0x8;
	p0 =	slt.s32 s3, $0xE0  }
0x88: {  	s1 =	sadd.s32 $0x80, s12;
	s2 =	ssub.s32 s2, s16;
	s3 =	simm.s32 @!p0 $0xE0  }
0x89: {  	p1 =	slt.s32 s1, $0xE0;
	s3 =	ssub.s32 s3, s14;
	p0 =	slt.s32 s2, $0x1  }
0x8a: {  	[dreg:$0x9] =	wrdreg s14;
	s1 =	simm.s32 @!p1 $0xE0;
	p1 =	slt.s32 @!p0 s3, $0x1  }
0x8b: {  	[dreg:$0x7] =	wrdreg s12;
	s27 =	ssub.s32 s1, s12;
	p1 =	por p0, p1  }
0x8c: {  	[dreg:$0x8] =	wrdreg s13;
	p2 =	slt.s32 @!p1 s27, $0x1  }
0x8d: {  	[dreg:$0x13] =	wrdreg s22;
	s0 =	smul.u32 s0, s25;
	p1 =	por p1, p2  }
.Ltmp4:
0x8e: {  	s29 =	simm.s32 $0x1;
	[dreg:$0x17] =	wrdreg s2;
	(pc) =	sbr.rel @p1 .LBB1_18-.Ltmp4, $4  }
0x8f: {  	s28 =	sand.u32 $0x3FFFFFFF, s0;
	s0 =	sand.u32 $0x1, s13;
	[dreg:$0x18] =	wrdreg s3  }
0x90: {  	s31 =	smul.u32 $0x4080, s0;
	_ =	swait.ge [sflag:s29], s28  }
0x91: {  	s30 =	ssub.s32 $0x0, s28;
	[sflag:s29] =	ssyncset.done $0x0  }
0x92: {  	[dreg:$0x16] =	wrdreg s31;
	[sflag:s29] =	ssyncadd.s32 s30  }
0x93: {  	s2 =	rddreg [dreg:$0x6]  }
0x94: {  	s1 =	sadd.s32 $0x80, s2  }
0x95: {  	p1 =	slt.s32 s1, $0xC0  }
0x96: {  	s1 =	simm.s32 @!p1 $0xC0  }
.Ltmp5:
0x97: {  	s1 =	ssub.s32 s1, s2;
	(pc) =	sbr.rel .LBB1_6-.Ltmp5, $4  }
0x98: {  	s30 =	sshll.u32 @!p0 s0, $0xE;
	s0 =	rddreg [dreg:$0x16];
	s2 =	sadd.s32 $0xF, s1  }
0x99: {  	s31 =	sor.u32 @!p0 $0x8000, s0;
	s28 =	sand.u32 $0xFFFFFFF0, s2  }
0x9a: {  	s29 =	sand.u32 @!p0 $0xFFFFFF00, s2;
	s1 =	sshll.u32 s2, $0x3;
	p0 =	slt.s32 s2, $0x100  }
0x9b: {  	s0 =	sand.u32 $0xFFFFF800, s1;
	s1 =	simm.s32 $0x0;
	p1 =	sge.s32 s29, s28  }
.LBB1_17:
0x9c: {  	s1 =	sadd.s32 $0x1, s1;
	s2 =	rddreg [dreg:$0x17]  }
0x9d: {  	p2 =	sne.s32 s1, s2  }
.Ltmp6:
0x9e: {  	_ = 	snop;
	(pc) =	sbr.rel @!p2 .LBB1_18-.Ltmp6, $1  }
0x9f: {  	_ =	sdelay $0x3  }
.LBB1_6:
.Ltmp7:
0xa0: {  	(pc) =	sbr.rel .LBB1_7-.Ltmp7, $2  }
0xa1: {  	_ =	sdelay $0x2  }
0xa2: {  	s2 =	simm.s32 $0x0  }
.LBB1_16:
0xa3: {  	s2 =	sadd.s32 $0x1, s2;
	s3 =	rddreg [dreg:$0x18]  }
0xa4: {  	p2 =	sne.s32 s2, s3  }
.Ltmp8:
0xa5: {  	_ = 	snop;
	(pc) =	sbr.rel @!p2 .LBB1_17-.Ltmp8, $1  }
0xa6: {  	_ =	sdelay $0x3  }
.LBB1_7:
.Ltmp9:
0xa7: {  	s3 =	sadd.s32 s1, s2;
	(pc) =	sbr.rel .LBB1_8-.Ltmp9, $3  }
0xa8: {  	s4 =	sshll.u32 s3, $0x10;
	s3 =	smul.u32 $0x10200, s3;
	_ =	sdelay $0x1  }
0xa9: {  	s5 =	simm.s32 $0x400;
	s4 =	sshra.s32 s4, $0x2;
	s3 =	sshra.s32 s3, $0x2  }
0xaa: {  	s7 =	sadd.s32 s4, s30;
	s4 =	simm.s32 $0x0;
	s3 =	sadd.s32 s3, s31  }
.LBB1_15:
0xab: {  	s4 =	sadd.s32 $0x1, s4  }
0xac: {  	p2 =	sne.s32 s4, s27  }
.Ltmp10:
0xad: {  	_ = 	snop;
	(pc) =	sbr.rel @!p2 .LBB1_16-.Ltmp10, $2  }
0xae: {  	_ =	sdelay $0x2  }
0xaf: {  	s5 =	sadd.s32 $0x80, s5  }
.LBB1_8:
.Ltmp11:
0xb0: {  	(pc) =	sbr.rel @p0 .LBB1_12-.Ltmp11, $2  }
0xb1: {  	_ =	sdelay $0x2  }
0xb2: {  	s6 =	sshll.u32 s4, $0x7;
	s24 =	sand.u32 $0x7F, s4  }
0xb3: {  	s10 =	sshll.u32 s4, $0x3  }
0xb4: {  	s13 =	sand.u32 $0x380, s6;
	s8 =	sshrl.u32 s10, $0x7  }
0xb5: {  	s9 =	sadd.s32 $0x800, s10;
	s15 =	sadd.s32 $0x1000, s10;
	s18 =	sadd.s32 $0x1800, s10  }
0xb6: {  	s20 =	sadd.s32 $0x2800, s10;
	s26 =	sadd.s32 $0x3000, s10;
	s10 =	sadd.s32 $0x3800, s10  }
0xb7: {  	s11 =	sand.u32 $0x78, s8;
	s9 =	sshrl.u32 s9, $0x7;
	s17 =	sshrl.u32 s15, $0x7  }
0xb8: {  	s15 =	sshrl.u32 s18, $0x7;
	s25 =	sshrl.u32 s20, $0x7;
	s10 =	sshrl.u32 s10, $0x7  }
0xb9: {  	s16 =	sadd.s32 $0x10, s8;
	s12 =	smul.u32 $0x204, s11;
	s9 =	sand.u32 $0x78, s9  }
0xba: {  	s20 =	sadd.s32 $0x30, s8;
	s11 =	sxor.u32 $0x40, s11;
	s14 =	smul.u32 $0x204, s9  }
0xbb: {  	s19 =	sand.u32 $0x78, s15;
	s10 =	sand.u32 $0x78, s10;
	s11 =	smul.u32 $0x204, s11  }
0xbc: {  	s9 =	sadd.s32 s13, s7;
	s13 =	sand.u32 $0x78, s17;
	s10 =	smul.u32 $0x204, s10  }
0xbd: {  	s12 =	sshrl.u32 s12, $0x2;
	s13 =	smul.u32 $0x204, s13;
	v0 =	vmov s9;
	s9 =	sand.u32 $0x3C00, s5  }
0xbe: {  	s12 =	sadd.s32 s12, s3;
	s14 =	sshrl.u32 s14, $0x2;
	s11 =	sshrl.u32 s11, $0x2  }
0xbf: {  	s10 =	sshrl.u32 s10, $0x2;
	s14 =	sadd.s32 s14, s3;
	s21 =	sadd.s32 s24, s12  }
0xc0: {  	s13 =	sshrl.u32 s13, $0x2;
	s12 =	smul.u32 $0x204, s19;
	s11 =	sadd.s32 s11, s3  }
0xc1: {  	s19 =	sadd.s32 $0x20, s8;
	s10 =	sadd.s32 s10, s3;
	s13 =	sadd.s32 s13, s3  }
0xc2: {  	s23 =	sadd.s32 s24, s13;
	s12 =	sshrl.u32 s12, $0x2;
	s13 =	sand.u32 $0x78, s25  }
0xc3: {  	s22 =	sadd.s32 s24, s14;
	s12 =	sadd.s32 s12, s3;
	s13 =	smul.u32 $0x204, s13  }
0xc4: {  	s17 =	sadd.s32 s24, s11;
	s18 =	sadd.s32 s24, s12;
	s12 =	sshrl.u32 s26, $0x7  }
0xc5: {  	s25 =	sadd.s32 $0x50, s8;
	s14 =	sshrl.u32 s13, $0x2;
	s11 =	sand.u32 $0x78, s12  }
0xc6: {  	s12 =	sadd.s32 s14, s3;
	s15 =	smul.u32 $0x204, s11;
	s14 =	sand.u32 $0x78, s19  }
0xc7: {  	s19 =	sadd.s32 s24, s10;
	s11 =	sadd.s32 s24, s12;
	s12 =	sand.u32 $0x78, s16  }
0xc8: {  	s14 =	smul.u32 $0x204, s14;
	s16 =	sadd.s32 $0x60, s8;
	s8 =	sadd.s32 $0x70, s8  }
0xc9: {  	s13 =	sshrl.u32 s15, $0x2;
	s12 =	smul.u32 $0x204, s12;
	s15 =	sand.u32 $0x78, s25  }
0xca: {  	s26 =	sand.u32 $0x78, s16;
	s8 =	sand.u32 $0x78, s8;
	s25 =	smul.u32 $0x204, s15  }
0xcb: {  	s14 =	sshrl.u32 s14, $0x2;
	s16 =	smul.u32 $0x204, s26;
	s12 =	sshrl.u32 s12, $0x2  }
0xcc: {  	v1 =	vld.idx.msk [tilespmem:v0+s9+$0x0 ss:$0x1], $0xffff;
	s8 =	smul.u32 $0x204, s8;
	s14 =	sadd.s32 s14, s3;
	s10 =	sadd.s32 s12, s3  }
0xcd: {  	s12 =	sand.u32 $0x78, s20;
	s20 =	sadd.s32 s24, s14;
	s14 =	sshrl.u32 s25, $0x2  }
0xce: {  	s25 =	sshrl.u32 s16, $0x2;
	s8 =	sshrl.u32 s8, $0x2;
	s15 =	sadd.s32 s24, s10  }
0xcf: {  	s10 =	sadd.s32 s14, s3;
	s14 =	sadd.s32 s25, s3;
	s26 =	sadd.s32 s8, s3  }
0xd0: {  	s8 =	sadd.s32 s24, s14;
	s14 =	sadd.s32 s24, s26;
	s26 =	sadd.s32 $0xFFFFFC00, s5  }
0xd1: {  	[tilespmem:s21+$0x0 ss:$0x81] =	vst.msk $0xffff, v1;
	v1 =	vld.idx.msk [tilespmem:v0+s9+$0x20 ss:$0x1], $0xffff;
	s16 =	sadd.s32 s24, s10;
	s10 =	sand.u32 $0x3C00, s26  }
0xd2: {  	v2 =	vld.idx.msk [tilespmem:v0+s10+$0x70 ss:$0x1], $0xffff  }
0xd3: {  	v3 =	vld.idx.msk [tilespmem:v0+s10+$0x0 ss:$0x1], $0xffff  }
0xd4: {  	v4 =	vld.idx.msk [tilespmem:v0+s10+$0x10 ss:$0x1], $0xffff  }
0xd5: {  	v5 =	vld.idx.msk [tilespmem:v0+s10+$0x20 ss:$0x1], $0xffff  }
0xd6: {  	v6 =	vld.idx.msk [tilespmem:v0+s10+$0x30 ss:$0x1], $0xffff  }
0xd7: {  	v7 =	vld.idx.msk [tilespmem:v0+s10+$0x40 ss:$0x1], $0xffff;
	[tilespmem:s19+$0x0 ss:$0x81] =	vst.msk $0xffff, v2  }
0xd8: {  	v8 =	vld.idx.msk [tilespmem:v0+s10+$0x50 ss:$0x1], $0xffff;
	[tilespmem:s21+$0x0 ss:$0x81] =	vst.msk $0xffff, v3  }
0xd9: {  	p2 =	sgt.s32 s29, $0x100;
	s12 =	smul.u32 $0x204, s12;
	v9 =	vld.idx.msk [tilespmem:v0+s10+$0x60 ss:$0x1], $0xffff;
	[tilespmem:s22+$0x0 ss:$0x81] =	vst.msk $0xffff, v4  }
.Ltmp12:
0xda: {  	v4 =	vld.idx.msk [tilespmem:v0+s9+$0x10 ss:$0x1], $0xffff;
	[tilespmem:s23+$0x0 ss:$0x81] =	vst.msk $0xffff, v5;
	(pc) =	sbr.rel @!p2 .LBB1_11-.Ltmp12, $4  }
0xdb: {  	[tilespmem:s18+$0x0 ss:$0x81] =	vst.msk $0xffff, v6;
	v2 =	vld.idx.msk [tilespmem:v0+s9+$0x30 ss:$0x1], $0xffff  }
0xdc: {  	s13 =	sadd.s32 s13, s3;
	s12 =	sshrl.u32 s12, $0x2;
	[tilespmem:s17+$0x0 ss:$0x81] =	vst.msk $0xffff, v7;
	v3 =	vld.idx.msk [tilespmem:v0+s9+$0x40 ss:$0x1], $0xffff  }
0xdd: {  	s13 =	sadd.s32 s24, s13;
	s12 =	sadd.s32 s12, s3;
	[tilespmem:s11+$0x0 ss:$0x81] =	vst.msk $0xffff, v8;
	v5 =	vld.idx.msk [tilespmem:v0+s9+$0x50 ss:$0x1], $0xffff  }
0xde: {  	s25 =	sadd.s32 $0x800, s5;
	s10 =	simm.s32 $0x100;
	s12 =	sadd.s32 s24, s12;
	[tilespmem:s13+$0x0 ss:$0x81] =	vst.msk $0xffff, v9;
	v6 =	vld.idx.msk [tilespmem:v0+s9+$0x60 ss:$0x1], $0xffff  }
.LBB1_10:
0xdf: {  	s26 =	sadd.s32 $0xFFFFFC00, s25;
	s10 =	sadd.s32 $0x100, s10;
	[tilespmem:s15+$0x0 ss:$0x81] =	vst.msk $0xffff, v4;
	v4 =	vld.idx.msk [tilespmem:v0+s9+$0x70 ss:$0x1], $0xffff;
	s9 =	sand.u32 $0x3C00, s25  }
0xe0: {  	s26 =	sand.u32 $0x3C00, s26;
	v7 =	vld.idx.msk [tilespmem:v0+s9+$0x0 ss:$0x1], $0xffff;
	p2 =	slt.s32 s10, s29;
	[tilespmem:s20+$0x0 ss:$0x81] =	vst.msk $0xffff, v1  }
0xe1: {  	v1 =	vld.idx.msk [tilespmem:v0+s26+$0x70 ss:$0x1], $0xffff;
	[tilespmem:s12+$0x0 ss:$0x81] =	vst.msk $0xffff, v2  }
0xe2: {  	v2 =	vld.idx.msk [tilespmem:v0+s26+$0x0 ss:$0x1], $0xffff;
	[tilespmem:s17+$0x0 ss:$0x81] =	vst.msk $0xffff, v3  }
0xe3: {  	v3 =	vld.idx.msk [tilespmem:v0+s26+$0x10 ss:$0x1], $0xffff;
	[tilespmem:s16+$0x0 ss:$0x81] =	vst.msk $0xffff, v5  }
0xe4: {  	v5 =	vld.idx.msk [tilespmem:v0+s26+$0x20 ss:$0x1], $0xffff;
	[tilespmem:s8+$0x0 ss:$0x81] =	vst.msk $0xffff, v6  }
0xe5: {  	v6 =	vld.idx.msk [tilespmem:v0+s26+$0x30 ss:$0x1], $0xffff;
	[tilespmem:s14+$0x0 ss:$0x81] =	vst.msk $0xffff, v4  }
0xe6: {  	v8 =	vld.idx.msk [tilespmem:v0+s26+$0x40 ss:$0x1], $0xffff;
	[tilespmem:s21+$0x0 ss:$0x81] =	vst.msk $0xffff, v7  }
0xe7: {  	v7 =	vld.idx.msk [tilespmem:v0+s26+$0x50 ss:$0x1], $0xffff;
	[tilespmem:s19+$0x0 ss:$0x81] =	vst.msk $0xffff, v1  }
0xe8: {  	[tilespmem:s21+$0x0 ss:$0x81] =	vst.msk $0xffff, v2;
	v9 =	vld.idx.msk [tilespmem:v0+s26+$0x60 ss:$0x1], $0xffff  }
0xe9: {  	[tilespmem:s22+$0x0 ss:$0x81] =	vst.msk $0xffff, v3;
	v4 =	vld.idx.msk [tilespmem:v0+s9+$0x10 ss:$0x1], $0xffff  }
.Ltmp13:
0xea: {  	[tilespmem:s23+$0x0 ss:$0x81] =	vst.msk $0xffff, v5;
	v1 =	vld.idx.msk [tilespmem:v0+s9+$0x20 ss:$0x1], $0xffff;
	(pc) =	sbr.rel @p2 .LBB1_10-.Ltmp13, $4  }
0xeb: {  	[tilespmem:s18+$0x0 ss:$0x81] =	vst.msk $0xffff, v6;
	v2 =	vld.idx.msk [tilespmem:v0+s9+$0x30 ss:$0x1], $0xffff  }
0xec: {  	[tilespmem:s17+$0x0 ss:$0x81] =	vst.msk $0xffff, v8;
	v3 =	vld.idx.msk [tilespmem:v0+s9+$0x40 ss:$0x1], $0xffff  }
0xed: {  	[tilespmem:s11+$0x0 ss:$0x81] =	vst.msk $0xffff, v7;
	v5 =	vld.idx.msk [tilespmem:v0+s9+$0x50 ss:$0x1], $0xffff  }
0xee: {  	s25 =	sadd.s32 $0x800, s25;
	[tilespmem:s13+$0x0 ss:$0x81] =	vst.msk $0xffff, v9;
	v6 =	vld.idx.msk [tilespmem:v0+s9+$0x60 ss:$0x1], $0xffff  }
.LBB1_11:
0xef: {  	_ =	sdelay $0x2  }
0xf0: {  	[tilespmem:s15+$0x0 ss:$0x81] =	vst.msk $0xffff, v4  }
0xf1: {  	v0 =	vld.idx.msk [tilespmem:v0+s9+$0x70 ss:$0x1], $0xffff;
	[tilespmem:s20+$0x0 ss:$0x81] =	vst.msk $0xffff, v1  }
0xf2: {  	[tilespmem:s12+$0x0 ss:$0x81] =	vst.msk $0xffff, v2  }
0xf3: {  	[tilespmem:s17+$0x0 ss:$0x81] =	vst.msk $0xffff, v3  }
0xf4: {  	[tilespmem:s16+$0x0 ss:$0x81] =	vst.msk $0xffff, v5  }
0xf5: {  	[tilespmem:s8+$0x0 ss:$0x81] =	vst.msk $0xffff, v6  }
0xf6: {  	[tilespmem:s14+$0x0 ss:$0x81] =	vst.msk $0xffff, v0  }
.LBB1_12:
.Ltmp14:
0xf7: {  	(pc) =	sbr.rel @p1 .LBB1_15-.Ltmp14, $1  }
0xf8: {  	_ =	sdelay $0x3  }
0xf9: {  	s9 =	sand.u32 $0x380, s6;
	s8 =	sshrl.u32 s4, $0x4;
	s10 =	sadd.s32 s24, s3  }
0xfa: {  	s11 =	smov.u32 s0;
	s12 =	smov.u32 s29;
	s9 =	sadd.s32 s9, s7  }
.LBB1_14:
0xfb: {  	s13 =	sand.u32 $0x3C00, s11  }
0xfc: {  	s13 =	sadd.s32 s6, s13  }
0xfd: {  	s13 =	sand.u32 $0x3C00, s13  }
0xfe: {  	s14 =	sand.u32 $0x70, s12;
	s25 =	sadd.s32 s12, s8;
	s13 =	sadd.s32 s13, s9  }
0xff: {  	s12 =	sadd.s32 $0x10, s12;
	s26 =	sand.u32 $0x78, s25;
	s13 =	sadd.s32 s14, s13  }
0x100: {  	p2 =	slt.s32 s12, s28;
	v0 =	vld [tilespmem:s13+$0x0];
	s13 =	smul.u32 $0x204, s26  }
.Ltmp15:
0x101: {  	_ = 	snop;
	(pc) =	sbr.rel @p2 .LBB1_14-.Ltmp15, $4  }
0x102: {  	_ = 	snop  }
0x103: {  	s13 =	sshrl.u32 s13, $0x2  }
0x104: {  	s13 =	sadd.s32 s13, s10  }
0x105: {  	s11 =	sadd.s32 $0x80, s11;
	[tilespmem:s13+$0x0 ss:$0x81] =	vst.msk $0xffff, v0  }
.Ltmp16:
0x106: {  	_ = 	snop;
	(pc) =	sbr.rel .LBB1_15-.Ltmp16, $1  }
0x107: {  	_ =	sdelay $0x3  }
.LBB1_20:
0x108: {  	_ =	sfence.sel $0x180000  }
0x109: {  	s0 =	simm.s32 $0x1;
	[bflag:$0x0] =	sbarrier.arrive $0xFFFF  }
0x10a: {  	s30 =	simm.s32 $0x2;
	[sflag:s0] =	ssyncpa.u1 $0x1  }
0x10b: {  	[sflag:s30] =	ssyncpa.u1 $0x1  }
0x10c: {  	_ =	strace $0x90000047  }
0x10d: {  	s31 =	stileid.u32;
	[bflag:$0x2] =	sbarrier.arrive $0xFFFF  }
0x10e: {  	p0 =	sne.s32 s31, $0x0;
	s0 =	rddreg [dreg:$0x2]  }
0x10f: {  	s0 =	sadd.s32 @!p0 $0x100000, s0  }
0x110: {  	[sflag:s0] =	ssyncadd.tile.s32 @!p0 $0x1;
	_ =	shalt  }
.Lfunc_end1:
_tile_overlayer_lowered:
.L_overlay_start_2:
0x111: {  	(tag) =	ssettag $0x2  }
0x112: {  	s0 =	rddreg [dreg:$0x0];
	s2 =	stileid.u32  }
0x113: {  	s1 =	rddreg [dreg:$0x1];
	p0 =	sne.s32 s2, $0x0  }
0x114: {  	s3 =	rddreg [dreg:$0x2];
	[bflag:$0x3] =	sbarrier.arrive $0xFFFF;
	s2 =	simm.s32 @!p0 $0x1C01  }
0x115: {  	[timem:s3], [sflag:s2] =	dma.local @!p0 [hbm:s0], s1  }
0x116: {  	s0 =	simm.s32 @!p0 $0x1  }
0x117: {  	_ =	swait.ge @!p0 [sflag:s0], s1  }
0x118: {  	s1 =	ssub.s32 @!p0 $0x0, s1;
	[sflag:s0] =	ssyncset.done @!p0 $0x0  }
0x119: {  	[sflag:s0] =	ssyncadd.s32 @!p0 s1  }
0x11a: {  	[bflag:$0x3] =	sbarrier.arrive $0xFFFF  }
0x11b: {  	_ =	shalt  }

</sc_bundles>
